<compile_context>
chip_gen: v7x
topology: tpu7x:2x2x1
jax: 0.10.2.dev20260603
libtpu: 0.0.44.dev20260713+nightly
codegen_flags: <defaults>
</compile_context>

<pallas_src>
import jax
import jax.numpy as jnp
from jax import lax
from jax.experimental import pallas as pl
from jax.experimental.pallas import tpu as pltpu
from jax.experimental.pallas import tpu_sc as plsc

_K = 8192
_D = 64
_N = 8192
_BN = 1024
_BK = 4096
_NBLK = _N // _BN


def _dist_argmin_body(zt_ref, z2_ref, w_ref, idx_ref, dsum_ref):
    zblk = zt_ref[...]
    z2 = z2_ref[...]
    best_val = jnp.full((1, _BN), jnp.inf, jnp.float32)
    best_idx = jnp.zeros((1, _BN), jnp.int32)
    dmin = jnp.full((1, _BN), jnp.inf, jnp.float32)
    for kc in range(_K // _BK):
        w = w_ref[kc * _BK:(kc + 1) * _BK, :]
        wblk = w + w
        w2blk = jnp.sum(w * w, axis=1, keepdims=True)
        mm2 = lax.dot_general(wblk, zblk, (((1,), (1,)), ((), ())),
                              preferred_element_type=jnp.float32)
        d = (z2 + w2blk) - mm2
        bmin = jnp.min(d, axis=0, keepdims=True)
        iot = lax.broadcasted_iota(jnp.int32, (_BK, _BN), 0)
        bidx = jnp.min(jnp.where(d == bmin, iot, _K),
                       axis=0, keepdims=True) + kc * _BK
        upd = bmin < best_val
        bmin16 = bmin.astype(jnp.bfloat16).astype(jnp.float32)
        best_val = jnp.where(upd, bmin16, best_val)
        best_idx = jnp.where(upd, bidx, best_idx)
        dmin = jnp.minimum(dmin, bmin)
    idx_ref[...] = best_idx.reshape(1, 1, _BN)
    dsum_ref[...] = jnp.full((1, 8, 128), jnp.sum(dmin), jnp.float32)


_GC = 128


def _gather_body(w_hbm, idx_hbm, out_hbm, idx_v, rows_v, sem):
    info = plsc.get_sparse_core_info()
    nw = info.num_cores * info.num_subcores
    wid = lax.axis_index("s") * info.num_cores + lax.axis_index("c")
    bpw = _N // nw
    for cc in range(bpw // _GC):
        base = wid * bpw + cc * _GC
        pltpu.sync_copy(idx_hbm.at[pl.ds(base, _GC)], idx_v)
        pltpu.async_copy(w_hbm.at[idx_v], rows_v, sem).wait()
        pltpu.sync_copy(rows_v, out_hbm.at[pl.ds(base, _GC)])


def kernel(x, W):
    x_p = jnp.transpose(x, (0, 2, 3, 1))
    z_flat = x_p.reshape(-1, _D)
    z2 = jnp.sum(z_flat ** 2, axis=1, keepdims=True)

    idx3, dsum = pl.pallas_call(
        _dist_argmin_body,
        grid=(_NBLK,),
        in_specs=[
            pl.BlockSpec((_BN, _D), lambda i: (i, 0)),
            pl.BlockSpec((1, _BN), lambda i: (0, i)),
            pl.BlockSpec((_K, _D), lambda i: (0, 0)),
        ],
        out_specs=[
            pl.BlockSpec((1, 1, _BN), lambda i: (i, 0, 0)),
            pl.BlockSpec((1, 8, 128), lambda i: (i, 0, 0)),
        ],
        out_shape=[
            jax.ShapeDtypeStruct((_NBLK, 1, _BN), jnp.int32),
            jax.ShapeDtypeStruct((_NBLK, 8, 128), jnp.float32),
        ],
        compiler_params=pltpu.CompilerParams(
            dimension_semantics=("parallel",)),
    )(z_flat, z2.reshape(1, _N), W)

    encoding_index = idx3.reshape(_N)

    w_pad = jnp.concatenate([W, jnp.zeros((_K, 128 - _D), jnp.float32)], axis=1)
    gather = pl.kernel(
        _gather_body,
        mesh=plsc.VectorSubcoreMesh(core_axis_name="c", subcore_axis_name="s"),
        out_type=jax.ShapeDtypeStruct((_N, 128), jnp.float32),
        scratch_types=[
            pltpu.VMEM((_GC,), jnp.int32),
            pltpu.VMEM((_GC, 128), jnp.float32),
            pltpu.SemaphoreType.DMA,
        ],
    )
    embed_flat = gather(w_pad, encoding_index)[:, :_D]

    loss = 1.25 * jnp.sum(dsum[:, 0, 0]) / (_N * _D)
    embed_out = jnp.transpose(embed_flat.reshape(8, 32, 32, _D), (0, 3, 1, 2))
    return (embed_out, loss, encoding_index)

# --- scband reference (transcript-rebuilt; emitter-appended) ---
"""Pipeline reference for scband-vector-quantizer-24146306138443 (READ-ONLY COPY).

The authoritative reference and input builder live on the scoring server;
editing this copy changes nothing except your own understanding.
"""

import jax, jax.numpy as jnp
import numpy as np

NUM_VOCAB = 8192
CODE_DIM = 64
EMBED_LOSS_COEFF = 0.25


def setup_inputs(seed: int = 0) -> dict:
    key = jax.random.key(seed)
    k1, k2 = jax.random.split(key)
    x = jax.random.normal(k1, (8, CODE_DIM, 32, 32), dtype=jnp.float32)
    # nn.Embedding weight initialized uniform(-1/K, 1/K)
    W = jax.random.uniform(k2, (NUM_VOCAB, CODE_DIM), dtype=jnp.float32,
                           minval=-1.0 / NUM_VOCAB, maxval=1.0 / NUM_VOCAB)
    return {"x": x, "W": W}


def reference(x, W):
    # x: [B, C, H, W] -> [B, H, W, C]
    x_p = jnp.transpose(x, (0, 2, 3, 1))
    z_flat = x_p.reshape(-1, CODE_DIM)
    # squared L2 distances to codebook entries
    dist = (jnp.sum(z_flat ** 2, axis=1, keepdims=True)
            + jnp.sum(W ** 2, axis=1)
            - 2.0 * jnp.matmul(z_flat, W.T))
    encoding_index = jnp.argmin(dist, axis=1)
    embed = jnp.take(W, encoding_index, axis=0).reshape(x_p.shape)
    loss = (jnp.mean((jax.lax.stop_gradient(embed) - x_p) ** 2)
            + EMBED_LOSS_COEFF * jnp.mean((embed - jax.lax.stop_gradient(x_p)) ** 2))
    embed_st = x_p + jax.lax.stop_gradient(embed - x_p)
    embed_out = jnp.transpose(embed_st, (0, 3, 1, 2))
    return (embed_out, loss, encoding_index)

if __name__ == "__main__":
    import jax
    _d = setup_inputs()
    print(jax.jit(kernel)(*tuple(_d.values())))

</pallas_src>

<mosaic_0001>
#map = affine_map<(d0, d1) -> (0, 0)>
#map1 = affine_map<(d0, d1) -> (0)>
module attributes {stable_mosaic.version = 14 : i64} {
  func.func @_gather_body(%arg0: i32, %arg1: i32, %arg2: memref<8192x128xf32, #tpu.memory_space<hbm>>, %arg3: memref<8192xi32, #tpu.memory_space<hbm>>, %arg4: memref<8192x128xf32, #tpu.memory_space<hbm>>, %arg5: memref<128xi32, #tpu.memory_space<vmem>>, %arg6: memref<128x128xf32, #tpu.memory_space<vmem>>, %arg7: memref<!tpu.dma_semaphore, #tpu.memory_space<semaphore_mem>>) attributes {dimension_semantics = [#tpu.dimension_semantics<core_parallel>, #tpu.dimension_semantics<subcore_parallel>], iteration_bounds = array<i64: 2, 16>, scalar_prefetch = 0 : i64, scratch_operands = 3 : i64, tpu.core_type = #tpu.core_type<sc_vector_subcore>, window_params = [{transform_indices = #map}, {transform_indices = #map1}, {transform_indices = #map}]} {
    %mul3A = arith.constant 2 : i32
    %mul3A_0 = arith.muli %arg1, %mul3A : i32
    %add3A = arith.addi %mul3A_0, %arg0 : i32
    %mul3A_1 = arith.constant 256 : i32
    %mul3A_2 = arith.muli %add3A, %mul3A_1 : i32
    %add3A_3 = arith.constant 0 : i32
    %add3A_4 = arith.addi %mul3A_2, %add3A_3 : i32
    "tpu.region"() ({
      %run_scoped3A = tpu.sem_alloc : memref<!tpu.dma_semaphore, #tpu.memory_space<semaphore_mem>>
      %dma_start3A_19 = tpu.memref_slice %arg3[%add3A_4] : memref<8192xi32, #tpu.memory_space<hbm>> -> memref<128xi32, #tpu.memory_space<hbm>>
      %dma_start3A_20 = tpu.memref_slice %arg3[%add3A_4] : memref<8192xi32, #tpu.memory_space<hbm>> -> memref<128xi32, #tpu.memory_space<hbm>>
      tpu.enqueue_dma source(%dma_start3A_20 : memref<128xi32, #tpu.memory_space<hbm>>) target(%arg5 : memref<128xi32, #tpu.memory_space<vmem>>) target_semaphore(%run_scoped3A : memref<!tpu.dma_semaphore, #tpu.memory_space<semaphore_mem>>)
      %dma_wait3A_21 = tpu.memref_slice %arg3[%add3A_4] : memref<8192xi32, #tpu.memory_space<hbm>> -> memref<128xi32, #tpu.memory_space<hbm>>
      %dma_wait3A_22 = tpu.memref_slice %arg3[%add3A_4] : memref<8192xi32, #tpu.memory_space<hbm>> -> memref<128xi32, #tpu.memory_space<hbm>>
      tpu.wait_dma2 semaphore(%run_scoped3A : memref<!tpu.dma_semaphore, #tpu.memory_space<semaphore_mem>>) src(%dma_wait3A_22 : memref<128xi32, #tpu.memory_space<hbm>>) dst(%arg5 : memref<128xi32, #tpu.memory_space<vmem>>)
      tpu.yield
    }) : () -> ()
    %dma_start3A = arith.constant 0 : i32
    %dma_start3A_5 = arith.constant 0 : i32
    %dma_start3A_6 = tpu.memref_slice %arg2[%dma_start3A, %dma_start3A_5] : memref<8192x128xf32, #tpu.memory_space<hbm>> -> memref<8192x128xf32, #tpu.memory_space<hbm>>
    tpu.enqueue_indirect_dma source(%dma_start3A_6 : memref<8192x128xf32, #tpu.memory_space<hbm>>) target(%arg6 : memref<128x128xf32, #tpu.memory_space<vmem>>) offsets(%arg5 : memref<128xi32, #tpu.memory_space<vmem>>) semaphore(%arg7 : memref<!tpu.dma_semaphore, #tpu.memory_space<semaphore_mem>>)
    %dma_wait3A = arith.constant 0 : i32
    %dma_wait3A_7 = arith.constant 0 : i32
    %dma_wait3A_8 = tpu.memref_slice %arg2[%dma_wait3A, %dma_wait3A_7] : memref<8192x128xf32, #tpu.memory_space<hbm>> -> memref<8192x128xf32, #tpu.memory_space<hbm>>
    tpu.wait_indirect_dma semaphore(%arg7 : memref<!tpu.dma_semaphore, #tpu.memory_space<semaphore_mem>>) src(%dma_wait3A_8 : memref<8192x128xf32, #tpu.memory_space<hbm>>) dst(%arg6 : memref<128x128xf32, #tpu.memory_space<vmem>>)
    "tpu.region"() ({
      %run_scoped3A = tpu.sem_alloc : memref<!tpu.dma_semaphore, #tpu.memory_space<semaphore_mem>>
      %dma_start3A_19 = arith.constant 0 : i32
      %dma_start3A_20 = tpu.memref_slice %arg4[%add3A_4, %dma_start3A_19] : memref<8192x128xf32, #tpu.memory_space<hbm>> -> memref<128x128xf32, #tpu.memory_space<hbm>>
      %dma_start3A_21 = arith.constant 0 : i32
      %dma_start3A_22 = tpu.memref_slice %arg4[%add3A_4, %dma_start3A_21] : memref<8192x128xf32, #tpu.memory_space<hbm>> -> memref<128x128xf32, #tpu.memory_space<hbm>>
      tpu.enqueue_dma source(%arg6 : memref<128x128xf32, #tpu.memory_space<vmem>>) target(%dma_start3A_22 : memref<128x128xf32, #tpu.memory_space<hbm>>) target_semaphore(%run_scoped3A : memref<!tpu.dma_semaphore, #tpu.memory_space<semaphore_mem>>)
      %dma_wait3A_23 = arith.constant 0 : i32
      %dma_wait3A_24 = tpu.memref_slice %arg4[%add3A_4, %dma_wait3A_23] : memref<8192x128xf32, #tpu.memory_space<hbm>> -> memref<128x128xf32, #tpu.memory_space<hbm>>
      %dma_wait3A_25 = arith.constant 0 : i32
      %dma_wait3A_26 = tpu.memref_slice %arg4[%add3A_4, %dma_wait3A_25] : memref<8192x128xf32, #tpu.memory_space<hbm>> -> memref<128x128xf32, #tpu.memory_space<hbm>>
      tpu.wait_dma2 semaphore(%run_scoped3A : memref<!tpu.dma_semaphore, #tpu.memory_space<semaphore_mem>>) src(%arg6 : memref<128x128xf32, #tpu.memory_space<vmem>>) dst(%dma_wait3A_26 : memref<128x128xf32, #tpu.memory_space<hbm>>)
      tpu.yield
    }) : () -> ()
    %mul3A_9 = arith.constant 256 : i32
    %mul3A_10 = arith.muli %add3A, %mul3A_9 : i32
    %add3A_11 = arith.constant 128 : i32
    %add3A_12 = arith.addi %mul3A_10, %add3A_11 : i32
    "tpu.region"() ({
      %run_scoped3A = tpu.sem_alloc : memref<!tpu.dma_semaphore, #tpu.memory_space<semaphore_mem>>
      %dma_start3A_19 = tpu.memref_slice %arg3[%add3A_12] : memref<8192xi32, #tpu.memory_space<hbm>> -> memref<128xi32, #tpu.memory_space<hbm>>
      %dma_start3A_20 = tpu.memref_slice %arg3[%add3A_12] : memref<8192xi32, #tpu.memory_space<hbm>> -> memref<128xi32, #tpu.memory_space<hbm>>
      tpu.enqueue_dma source(%dma_start3A_20 : memref<128xi32, #tpu.memory_space<hbm>>) target(%arg5 : memref<128xi32, #tpu.memory_space<vmem>>) target_semaphore(%run_scoped3A : memref<!tpu.dma_semaphore, #tpu.memory_space<semaphore_mem>>)
      %dma_wait3A_21 = tpu.memref_slice %arg3[%add3A_12] : memref<8192xi32, #tpu.memory_space<hbm>> -> memref<128xi32, #tpu.memory_space<hbm>>
      %dma_wait3A_22 = tpu.memref_slice %arg3[%add3A_12] : memref<8192xi32, #tpu.memory_space<hbm>> -> memref<128xi32, #tpu.memory_space<hbm>>
      tpu.wait_dma2 semaphore(%run_scoped3A : memref<!tpu.dma_semaphore, #tpu.memory_space<semaphore_mem>>) src(%dma_wait3A_22 : memref<128xi32, #tpu.memory_space<hbm>>) dst(%arg5 : memref<128xi32, #tpu.memory_space<vmem>>)
      tpu.yield
    }) : () -> ()
    %dma_start3A_13 = arith.constant 0 : i32
    %dma_start3A_14 = arith.constant 0 : i32
    %dma_start3A_15 = tpu.memref_slice %arg2[%dma_start3A_13, %dma_start3A_14] : memref<8192x128xf32, #tpu.memory_space<hbm>> -> memref<8192x128xf32, #tpu.memory_space<hbm>>
    tpu.enqueue_indirect_dma source(%dma_start3A_15 : memref<8192x128xf32, #tpu.memory_space<hbm>>) target(%arg6 : memref<128x128xf32, #tpu.memory_space<vmem>>) offsets(%arg5 : memref<128xi32, #tpu.memory_space<vmem>>) semaphore(%arg7 : memref<!tpu.dma_semaphore, #tpu.memory_space<semaphore_mem>>)
    %dma_wait3A_16 = arith.constant 0 : i32
    %dma_wait3A_17 = arith.constant 0 : i32
    %dma_wait3A_18 = tpu.memref_slice %arg2[%dma_wait3A_16, %dma_wait3A_17] : memref<8192x128xf32, #tpu.memory_space<hbm>> -> memref<8192x128xf32, #tpu.memory_space<hbm>>
    tpu.wait_indirect_dma semaphore(%arg7 : memref<!tpu.dma_semaphore, #tpu.memory_space<semaphore_mem>>) src(%dma_wait3A_18 : memref<8192x128xf32, #tpu.memory_space<hbm>>) dst(%arg6 : memref<128x128xf32, #tpu.memory_space<vmem>>)
    "tpu.region"() ({
      %run_scoped3A = tpu.sem_alloc : memref<!tpu.dma_semaphore, #tpu.memory_space<semaphore_mem>>
      %dma_start3A_19 = arith.constant 0 : i32
      %dma_start3A_20 = tpu.memref_slice %arg4[%add3A_12, %dma_start3A_19] : memref<8192x128xf32, #tpu.memory_space<hbm>> -> memref<128x128xf32, #tpu.memory_space<hbm>>
      %dma_start3A_21 = arith.constant 0 : i32
      %dma_start3A_22 = tpu.memref_slice %arg4[%add3A_12, %dma_start3A_21] : memref<8192x128xf32, #tpu.memory_space<hbm>> -> memref<128x128xf32, #tpu.memory_space<hbm>>
      tpu.enqueue_dma source(%arg6 : memref<128x128xf32, #tpu.memory_space<vmem>>) target(%dma_start3A_22 : memref<128x128xf32, #tpu.memory_space<hbm>>) target_semaphore(%run_scoped3A : memref<!tpu.dma_semaphore, #tpu.memory_space<semaphore_mem>>)
      %dma_wait3A_23 = arith.constant 0 : i32
      %dma_wait3A_24 = tpu.memref_slice %arg4[%add3A_12, %dma_wait3A_23] : memref<8192x128xf32, #tpu.memory_space<hbm>> -> memref<128x128xf32, #tpu.memory_space<hbm>>
      %dma_wait3A_25 = arith.constant 0 : i32
      %dma_wait3A_26 = tpu.memref_slice %arg4[%add3A_12, %dma_wait3A_25] : memref<8192x128xf32, #tpu.memory_space<hbm>> -> memref<128x128xf32, #tpu.memory_space<hbm>>
      tpu.wait_dma2 semaphore(%run_scoped3A : memref<!tpu.dma_semaphore, #tpu.memory_space<semaphore_mem>>) src(%arg6 : memref<128x128xf32, #tpu.memory_space<vmem>>) dst(%dma_wait3A_26 : memref<128x128xf32, #tpu.memory_space<hbm>>)
      tpu.yield
    }) : () -> ()
    return
  }
}

module attributes {stable_mosaic.version = 14 : i64} {
  func.func @_dist_argmin_body(%arg0: i32, %arg1: memref<1024x64xf32, #tpu.memory_space<vmem>>, %arg2: memref<1x1024xf32, #tpu.memory_space<vmem>>, %arg3: memref<8192x64xf32, #tpu.memory_space<vmem>>, %arg4: memref<1x1x1024xi32, #tpu.memory_space<vmem>>, %arg5: memref<1x8x128xf32, #tpu.memory_space<vmem>>) attributes {dimension_semantics = [#tpu.dimension_semantics<parallel>], iteration_bounds = array<i64: 8>, scalar_prefetch = 0 : i64, scratch_operands = 0 : i64, tpu.core_type = #tpu.core_type<tc>, window_params = [{transform_indices = @transform_0, window_bounds = array<i64: 1024, 64>}, {transform_indices = @transform_1, window_bounds = array<i64: 1, 1024>}, {pipeline_mode = #tpu.pipeline_mode<synchronous>, transform_indices = @transform_2, window_bounds = array<i64: 8192, 64>}, {transform_indices = @transform_3, window_bounds = array<i64: 1, 1, 1024>}, {transform_indices = @transform_4, window_bounds = array<i64: 1, 8, 128>}]} {
    %get3A = arith.constant 0 : index
    %get3A_0 = arith.constant 0 : index
    %get3A_1 = vector.load %arg1[%get3A, %get3A_0] : memref<1024x64xf32, #tpu.memory_space<vmem>>, vector<1024x64xf32>
    %get3A_2 = arith.constant 0 : index
    %get3A_3 = arith.constant 0 : index
    %get3A_4 = vector.load %arg2[%get3A_2, %get3A_3] : memref<1x1024xf32, #tpu.memory_space<vmem>>, vector<1x1024xf32>
    %broadcast_in_dim3A = arith.constant 0x7F800000 : f32
    %broadcast_in_dim3A_5 = vector.broadcast %broadcast_in_dim3A : f32 to vector<1x1024xf32>
    %broadcast_in_dim3A_6 = arith.constant 0 : i32
    %broadcast_in_dim3A_7 = vector.broadcast %broadcast_in_dim3A_6 : i32 to vector<1x1024xi32>
    %broadcast_in_dim3A_8 = arith.constant 0x7F800000 : f32
    %broadcast_in_dim3A_9 = vector.broadcast %broadcast_in_dim3A_8 : f32 to vector<1x1024xf32>
    %get3A_10 = arith.constant 0 : index
    %get3A_11 = arith.constant 0 : index
    %get3A_12 = vector.load %arg3[%get3A_10, %get3A_11] : memref<8192x64xf32, #tpu.memory_space<vmem>>, vector<4096x64xf32>
    %add3A = arith.addf %get3A_12, %get3A_12 : vector<4096x64xf32>
    %mul3A = arith.mulf %get3A_12, %get3A_12 : vector<4096x64xf32>
    %reduce_sum3A = arith.constant dense<0.000000e+00> : vector<4096xf32>
    %reduce_sum3A_13 = vector.multi_reduction <add>, %mul3A, %reduce_sum3A [1] : vector<4096x64xf32> to vector<4096xf32>
    %broadcast_in_dim3A_14 = vector.shape_cast %reduce_sum3A_13 : vector<4096xf32> to vector<4096x1xf32>
    %dot_general3A = arith.constant dense<0.000000e+00> : vector<4096x1024xf32>
    %dot_general3A_15 = tpu.matmul %add3A, %get3A_1, %dot_general3A {dimension_numbers = #tpu.dot_dimension_numbers<[1], [1], [0], [0], [0, 0, 1, 0], [], []>, transpose_lhs_hint = false} : vector<4096x64xf32>, vector<1024x64xf32>, vector<4096x1024xf32> -> vector<4096x1024xf32>
    %add3A_16 = vector.broadcast %get3A_4 : vector<1x1024xf32> to vector<4096x1024xf32>
    %add3A_17 = vector.broadcast %broadcast_in_dim3A_14 : vector<4096x1xf32> to vector<4096x1024xf32>
    %add3A_18 = arith.addf %add3A_16, %add3A_17 : vector<4096x1024xf32>
    %sub3A = arith.subf %add3A_18, %dot_general3A_15 : vector<4096x1024xf32>
    %reduce_min3A = arith.constant dense<0x7F800000> : vector<1024xf32>
    %reduce_min3A_19 = vector.multi_reduction <minimumf>, %sub3A, %reduce_min3A [0] : vector<4096x1024xf32> to vector<1024xf32>
    %broadcast_in_dim3A_20 = vector.shape_cast %reduce_min3A_19 : vector<1024xf32> to vector<1x1024xf32>
    %iota3A = tpu.iota {dimensions = array<i32: 0>} : vector<4096x1024xi32>
    %eq3A = vector.broadcast %broadcast_in_dim3A_20 : vector<1x1024xf32> to vector<4096x1024xf32>
    %eq3A_21 = arith.cmpf oeq, %sub3A, %eq3A : vector<4096x1024xf32>
    %jit3A = arith.constant 8192 : i32
    %broadcast_in_dim3A_22 = vector.broadcast %jit3A : i32 to vector<4096x1024xi32>
    %select_n3A = arith.select %eq3A_21, %iota3A, %broadcast_in_dim3A_22 : vector<4096x1024xi1>, vector<4096x1024xi32>
    %reduce_min3A_23 = arith.constant dense<2147483647> : vector<1024xi32>
    %reduce_min3A_24 = vector.multi_reduction <minsi>, %select_n3A, %reduce_min3A_23 [0] : vector<4096x1024xi32> to vector<1024xi32>
    %broadcast_in_dim3A_25 = vector.shape_cast %reduce_min3A_24 : vector<1024xi32> to vector<1x1024xi32>
    %add3A_26 = arith.constant 0 : i32
    %add3A_27 = vector.broadcast %add3A_26 : i32 to vector<1x1024xi32>
    %add3A_28 = arith.addi %broadcast_in_dim3A_25, %add3A_27 : vector<1x1024xi32>
    %lt3A = arith.cmpf olt, %broadcast_in_dim3A_20, %broadcast_in_dim3A_5 : vector<1x1024xf32>
    %convert_element_type3A = arith.truncf %broadcast_in_dim3A_20 : vector<1x1024xf32> to vector<1x1024xbf16>
    %convert_element_type3A_29 = arith.extf %convert_element_type3A : vector<1x1024xbf16> to vector<1x1024xf32>
    %select_n3A_30 = arith.select %lt3A, %convert_element_type3A_29, %broadcast_in_dim3A_5 : vector<1x1024xi1>, vector<1x1024xf32>
    %select_n3A_31 = arith.select %lt3A, %add3A_28, %broadcast_in_dim3A_7 : vector<1x1024xi1>, vector<1x1024xi32>
    %min3A = arith.minimumf %broadcast_in_dim3A_9, %broadcast_in_dim3A_20 : vector<1x1024xf32>
    %get3A_32 = arith.constant 4096 : index
    %get3A_33 = arith.constant 0 : index
    %get3A_34 = vector.load %arg3[%get3A_32, %get3A_33] : memref<8192x64xf32, #tpu.memory_space<vmem>>, vector<4096x64xf32>
    %add3A_35 = arith.addf %get3A_34, %get3A_34 : vector<4096x64xf32>
    %mul3A_36 = arith.mulf %get3A_34, %get3A_34 : vector<4096x64xf32>
    %reduce_sum3A_37 = arith.constant dense<0.000000e+00> : vector<4096xf32>
    %reduce_sum3A_38 = vector.multi_reduction <add>, %mul3A_36, %reduce_sum3A_37 [1] : vector<4096x64xf32> to vector<4096xf32>
    %broadcast_in_dim3A_39 = vector.shape_cast %reduce_sum3A_38 : vector<4096xf32> to vector<4096x1xf32>
    %dot_general3A_40 = arith.constant dense<0.000000e+00> : vector<4096x1024xf32>
    %dot_general3A_41 = tpu.matmul %add3A_35, %get3A_1, %dot_general3A_40 {dimension_numbers = #tpu.dot_dimension_numbers<[1], [1], [0], [0], [0, 0, 1, 0], [], []>, transpose_lhs_hint = false} : vector<4096x64xf32>, vector<1024x64xf32>, vector<4096x1024xf32> -> vector<4096x1024xf32>
    %add3A_42 = vector.broadcast %get3A_4 : vector<1x1024xf32> to vector<4096x1024xf32>
    %add3A_43 = vector.broadcast %broadcast_in_dim3A_39 : vector<4096x1xf32> to vector<4096x1024xf32>
    %add3A_44 = arith.addf %add3A_42, %add3A_43 : vector<4096x1024xf32>
    %sub3A_45 = arith.subf %add3A_44, %dot_general3A_41 : vector<4096x1024xf32>
    %reduce_min3A_46 = arith.constant dense<0x7F800000> : vector<1024xf32>
    %reduce_min3A_47 = vector.multi_reduction <minimumf>, %sub3A_45, %reduce_min3A_46 [0] : vector<4096x1024xf32> to vector<1024xf32>
    %broadcast_in_dim3A_48 = vector.shape_cast %reduce_min3A_47 : vector<1024xf32> to vector<1x1024xf32>
    %iota3A_49 = tpu.iota {dimensions = array<i32: 0>} : vector<4096x1024xi32>
    %eq3A_50 = vector.broadcast %broadcast_in_dim3A_48 : vector<1x1024xf32> to vector<4096x1024xf32>
    %eq3A_51 = arith.cmpf oeq, %sub3A_45, %eq3A_50 : vector<4096x1024xf32>
    %jit3A_52 = arith.constant 8192 : i32
    %broadcast_in_dim3A_53 = vector.broadcast %jit3A_52 : i32 to vector<4096x1024xi32>
    %select_n3A_54 = arith.select %eq3A_51, %iota3A_49, %broadcast_in_dim3A_53 : vector<4096x1024xi1>, vector<4096x1024xi32>
    %reduce_min3A_55 = arith.constant dense<2147483647> : vector<1024xi32>
    %reduce_min3A_56 = vector.multi_reduction <minsi>, %select_n3A_54, %reduce_min3A_55 [0] : vector<4096x1024xi32> to vector<1024xi32>
    %broadcast_in_dim3A_57 = vector.shape_cast %reduce_min3A_56 : vector<1024xi32> to vector<1x1024xi32>
    %add3A_58 = arith.constant 4096 : i32
    %add3A_59 = vector.broadcast %add3A_58 : i32 to vector<1x1024xi32>
    %add3A_60 = arith.addi %broadcast_in_dim3A_57, %add3A_59 : vector<1x1024xi32>
    %lt3A_61 = arith.cmpf olt, %broadcast_in_dim3A_48, %select_n3A_30 : vector<1x1024xf32>
    %select_n3A_62 = arith.select %lt3A_61, %add3A_60, %select_n3A_31 : vector<1x1024xi1>, vector<1x1024xi32>
    %min3A_63 = arith.minimumf %min3A, %broadcast_in_dim3A_48 : vector<1x1024xf32>
    %reshape3A = vector.shape_cast %select_n3A_62 : vector<1x1024xi32> to vector<1x1x1024xi32>
    %swap3A = arith.constant 0 : index
    %swap3A_64 = arith.constant 0 : index
    %swap3A_65 = arith.constant 0 : index
    %swap3A_66 = vector.load %arg4[%swap3A, %swap3A_64, %swap3A_65] : memref<1x1x1024xi32, #tpu.memory_space<vmem>>, vector<1x1x1024xi32>
    tpu.vector_store %arg4[%swap3A, %swap3A_64, %swap3A_65], %reshape3A {strides = array<i32>} : memref<1x1x1024xi32, #tpu.memory_space<vmem>>, vector<1x1x1024xi32>,
    %reduce_sum3A_67 = vector.shape_cast %min3A_63 : vector<1x1024xf32> to vector<1x1x1024xf32>
    %reduce_sum3A_68 = arith.constant dense<0.000000e+00> : vector<1xf32>
    %reduce_sum3A_69 = vector.multi_reduction <add>, %reduce_sum3A_67, %reduce_sum3A_68 [1, 2] : vector<1x1x1024xf32> to vector<1xf32>
    %reduce_sum3A_70 = vector.shape_cast %reduce_sum3A_69 : vector<1xf32> to vector<1x1x1xf32>
    %reduce_sum3A_71 = vector.extract %reduce_sum3A_70[0, 0, 0] : f32 from vector<1x1x1xf32>
    %broadcast_in_dim3A_72 = vector.broadcast %reduce_sum3A_71 : f32 to vector<1x8x128xf32>
    %swap3A_73 = arith.constant 0 : index
    %swap3A_74 = arith.constant 0 : index
    %swap3A_75 = arith.constant 0 : index
    %swap3A_76 = vector.load %arg5[%swap3A_73, %swap3A_74, %swap3A_75] : memref<1x8x128xf32, #tpu.memory_space<vmem>>, vector<1x8x128xf32>
    tpu.vector_store %arg5[%swap3A_73, %swap3A_74, %swap3A_75], %broadcast_in_dim3A_72 {strides = array<i32>} : memref<1x8x128xf32, #tpu.memory_space<vmem>>, vector<1x8x128xf32>,
    return
  }
  func.func @transform_0(%arg0: i32) -> (i32, i32) {
    %c0_i32 = arith.constant 0 : i32
    %c0_i32_0 = arith.constant 0 : i32
    return %arg0, %c0_i32 : i32, i32
  }
  func.func @transform_1(%arg0: i32) -> (i32, i32) {
    %c0_i32 = arith.constant 0 : i32
    %c0_i32_0 = arith.constant 0 : i32
    return %c0_i32, %arg0 : i32, i32
  }
  func.func @transform_2(%arg0: i32) -> (i32, i32) {
    %c0_i32 = arith.constant 0 : i32
    %c0_i32_0 = arith.constant 0 : i32
    %c0_i32_1 = arith.constant 0 : i32
    return %c0_i32, %c0_i32_0 : i32, i32
  }
  func.func @transform_3(%arg0: i32) -> (i32, i32, i32) {
    %c0_i32 = arith.constant 0 : i32
    %c0_i32_0 = arith.constant 0 : i32
    %c0_i32_1 = arith.constant 0 : i32
    return %arg0, %c0_i32, %c0_i32_0 : i32, i32, i32
  }
  func.func @transform_4(%arg0: i32) -> (i32, i32, i32) {
    %c0_i32 = arith.constant 0 : i32
    %c0_i32_0 = arith.constant 0 : i32
    %c0_i32_1 = arith.constant 0 : i32
    return %arg0, %c0_i32, %c0_i32_0 : i32, i32, i32
  }
}

</mosaic_0001>

<sc_bundles>
// kernel: kernel.4.cloned.1.call-start
scs
__scs_entry_jumppad:
0x0: {  	(pc) =	sbr.rel $0x88, $3  }
0x1: {  	(tag) =	ssettag $0x0;
	lr =	simm.s32 $0x1  }
0x2: {  	[smem:$0x3F9F] =	sst lr;
	_ =	strace $0xD0000000  }
0x3: {  	_ = 	snop  }
0x4: {  	_ = 	snop  }
0x5: {  	_ = 	snop  }
0x6: {  	_ = 	snop  }
0x7: {  	_ = 	snop  }
__scs_overlays_trampoline_lowered:
0x8: {  	[smem:$0x3FAE] =	sst s0  }
0x9: {  	[smem:$0x3FAF] =	sst s1  }
0xa: {  	[smem:$0x3FB0] =	sst s2  }
0xb: {  	[smem:$0x3FB1] =	sst s3  }
0xc: {  	[smem:$0x3FB2] =	sst s4  }
0xd: {  	[smem:$0x3FB3] =	sst s5  }
0xe: {  	[smem:$0x3FB4] =	sst s6  }
0xf: {  	[smem:$0x3FB5] =	sst s7  }
0x10: {  	[smem:$0x3FB6] =	sst s8  }
0x11: {  	[smem:$0x3FB7] =	sst s9;
	s0 =	simm.s32 @!p0 $0x0  }
0x12: {  	s1 =	sld [smem:$0x3F9D];
	s0 =	simm.s32 @p0 $0x1  }
0x13: {  	[smem:$0x3FB8] =	sst s0;
	s0 =	simm.s32 @!p1 $0x0  }
0x14: {  	s2 =	sld [smem:$0x3F9C];
	s0 =	simm.s32 @p1 $0x1  }
0x15: {  	[smem:$0x3FB9] =	sst s0;
	s0 =	simm.s32 @!p2 $0x0  }
0x16: {  	s3 =	sld [smem:$0x3FDB];
	s0 =	simm.s32 @p2 $0x1  }
0x17: {  	s4 =	simm.s32 $0x1BF5;
	[smem:$0x3FBB] =	sst s0  }
0x18: {  	s0 =	sld [smem:$0x3F9E];
	_ =	swait.ge [sflag:s4], $0x0  }
0x19: {  	s7 =	sld [smem:$0x3F9F]  }
0x1a: {  	s8 =	sadd.s32 $0xFFFFE003, lr  }
0x1b: {  	s9 =	sadd.s32 $0xFFFFFEF7, lr;
	s5 =	simm.s32 $0xFFFFFFFF;
	p2 =	slt.u32 s8, $0xFFFFF086  }
0x1c: {  	p1 =	slt.u32 s9, $0xF7A;
	s5 =	simm.s32 @!p2 $0x0  }
0x1d: {  	s5 =	simm.s32 @p1 $0x1;
	p0 =	seq.s32 s7, s2  }
0x1e: {  	s7 =	smul.u32 @!p0 $0xF7A, s2;
	p2 =	seq.s32 @!p0 s5, $0x0  }
0x1f: {  	s9 =	smul.u32 $0xF7A, s1;
	s8 =	simm.s32 @!p0 $0x1BF5;
	p2 =	por !p2, p0  }
0x20: {  	[sflag:s8] =	ssyncset.s32 @!p0 $0xFFFFF086;
	s6 =	sadd.s32 @!p0 s3, s7;
	s7 =	simm.s32 @!p0 $0x108  }
0x21: {  	s3 =	sadd.s32 s3, s9;
	s6 =	sadd.s32 @!p0 $0x88, s6;
	s7 =	simm.s32 @p2 $0x1082  }
0x22: {  	[simem:s7], [sflag:s8] =	dma.local @!p0 [hbm:s6], $0xF7A  }
0x23: {  	s9 =	sor.u32 $0xD0000000, s2;
	s6 =	simm.s32 $0x108;
	_ =	swait.ge @!p0 [sflag:s8], $0x0  }
0x24: {  	s3 =	sadd.s32 $0x88, s3;
	s6 =	simm.s32 @!p1 $0x1082;
	[sflag:s4] =	ssyncset.s32 $0xFFFFF086  }
0x25: {  	[simem:s6], [sflag:s4] =	dma.local [hbm:s3], $0xF7A  }
0x26: {  	[smem:$0x3F9F] =	sst s1;
	(tag) =	ssettag s2;
	_ =	strace s9  }
0x27: {  	s1 =	sld [smem:$0x3FAF]  }
0x28: {  	s2 =	sld [smem:$0x3FB0]  }
0x29: {  	s4 =	sld [smem:$0x3FB2]  }
0x2a: {  	p0 =	seq.s32 s5, $0x0;
	s5 =	sld [smem:$0x3FB3]  }
0x2b: {  	s6 =	sld [smem:$0x3FB4]  }
0x2c: {  	s7 =	sld [smem:$0x3FB5]  }
0x2d: {  	s3 =	simm.s32 $0x108;
	s8 =	sld [smem:$0x3FB6]  }
0x2e: {  	s3 =	simm.s32 @!p0 $0x1082;
	s9 =	sld [smem:$0x3FB7]  }
0x2f: {  	lr =	sadd.s32 s0, s3;
	s0 =	sld [smem:$0x3FAE]  }
0x30: {  	s3 =	sld [smem:$0x3FB1]  }
0x31: {  	[smem:$0x3FBA] =	sst s10  }
0x32: {  	s10 =	sld [smem:$0x3FB8];
	_ =	sdelay $0x3  }
0x33: {  	p0 =	seq.s32 s10, $0x1;
	s10 =	sld [smem:$0x3FBA];
	_ =	sdelay $0x3  }
0x34: {  	[smem:$0x3FBA] =	sst s10  }
0x35: {  	s10 =	sld [smem:$0x3FB9];
	_ =	sdelay $0x3  }
0x36: {  	p1 =	seq.s32 s10, $0x1;
	s10 =	sld [smem:$0x3FBA];
	_ =	sdelay $0x3  }
0x37: {  	[smem:$0x3FBA] =	sst s10  }
0x38: {  	s10 =	sld [smem:$0x3FBB]  }
0x39: {  	_ = 	snop;
	(pc) =	sbr.ind lr, $3  }
0x3a: {  	_ = 	snop  }
0x3b: {  	_ = 	snop  }
0x3c: {  	p2 =	seq.s32 s10, $0x1;
	s10 =	sld [smem:$0x3FBA]  }
0x3d: {  	_ =	shalt  }
0x3e: {  	_ =	shalt  }
0x3f: {  	_ =	shalt  }
0x40: {  	_ =	shalt  }
0x41: {  	_ =	shalt  }
0x42: {  	_ =	shalt  }
0x43: {  	_ =	shalt  }
0x44: {  	_ =	shalt  }
0x45: {  	_ =	shalt  }
0x46: {  	_ =	shalt  }
0x47: {  	_ =	shalt  }
0x48: {  	_ =	shalt  }
0x49: {  	_ =	shalt  }
0x4a: {  	_ =	shalt  }
0x4b: {  	_ =	shalt  }
0x4c: {  	_ =	shalt  }
0x4d: {  	_ =	shalt  }
0x4e: {  	_ =	shalt  }
0x4f: {  	_ =	shalt  }
0x50: {  	_ =	shalt  }
0x51: {  	_ =	shalt  }
0x52: {  	_ =	shalt  }
0x53: {  	_ =	shalt  }
0x54: {  	_ =	shalt  }
0x55: {  	_ =	shalt  }
0x56: {  	_ =	shalt  }
0x57: {  	_ =	shalt  }
0x58: {  	_ =	shalt  }
0x59: {  	_ =	shalt  }
0x5a: {  	_ =	shalt  }
0x5b: {  	_ =	shalt  }
0x5c: {  	_ =	shalt  }
0x5d: {  	_ =	shalt  }
0x5e: {  	_ =	shalt  }
0x5f: {  	_ =	shalt  }
0x60: {  	_ =	shalt  }
0x61: {  	_ =	shalt  }
0x62: {  	_ =	shalt  }
0x63: {  	_ =	shalt  }
0x64: {  	_ =	shalt  }
0x65: {  	_ =	shalt  }
0x66: {  	_ =	shalt  }
0x67: {  	_ =	shalt  }
0x68: {  	_ =	shalt  }
0x69: {  	_ =	shalt  }
0x6a: {  	_ =	shalt  }
0x6b: {  	_ =	shalt  }
0x6c: {  	_ =	shalt  }
0x6d: {  	_ =	shalt  }
0x6e: {  	_ =	shalt  }
0x6f: {  	_ =	shalt  }
0x70: {  	_ =	shalt  }
0x71: {  	_ =	shalt  }
0x72: {  	_ =	shalt  }
0x73: {  	_ =	shalt  }
0x74: {  	_ =	shalt  }
0x75: {  	_ =	shalt  }
0x76: {  	_ =	shalt  }
0x77: {  	_ =	shalt  }
0x78: {  	_ =	shalt  }
0x79: {  	_ =	shalt  }
0x7a: {  	_ =	shalt  }
0x7b: {  	_ =	shalt  }
0x7c: {  	_ =	shalt  }
0x7d: {  	_ =	shalt  }
0x7e: {  	_ =	shalt  }
0x7f: {  	_ =	shalt  }
0x80: {  	_ =	shalt  }
0x81: {  	_ =	shalt  }
0x82: {  	_ =	shalt  }
0x83: {  	_ =	shalt  }
0x84: {  	_ =	shalt  }
0x85: {  	_ =	shalt  }
0x86: {  	_ =	shalt  }
0x87: {  	_ =	shalt  }
.Lfunc_end0:
.L_simem_size_0:
called_computation_lowered:
.L_overlay_start_0:
0x88: {  	s2 =	sld [smem:$0x3FD9]  }
0x89: {  	s3 =	sld [smem:$0x3FFE];
	_ =	sdelay $0x1  }
0x8a: {  	s1 =	srdreg.scid  }
0x8b: {  	s0 =	sand.u32 $0x1, s1  }
0x8c: {  	s14 =	sshll.u32 s0, $0xA;
	s2 =	sadd.s32 s3, s2  }
0x8d: {  	s2 =	sadd.s32 s2, s14  }
0x8e: {  	[smem:$0x3FC6] =	sst s2  }
0x8f: {  	_ = 	snop  }
0x90: {  	s2 =	sld [smem:$0x3FD0];
	_ =	sdelay $0x2  }
0x91: {  	s15 =	simm.s32 $0xA;
	s4 =	simm.s32 $0x10  }
0x92: {  	[smem:s4], [sflag:s15] =	dma.local [hbm:s2], $0x1  }
0x93: {  	_ =	swait.eq [sflag:s15], $0x1  }
0x94: {  	[sflag:s15] =	ssyncset.done $0x0  }
0x95: {  	s16 =	sld [smem:$0x10];
	[sflag:s15] =	ssyncadd.s32 $0xFFFFFFFF  }
0x96: {  	s17 =	sld [smem:$0x12];
	(tm) =	ssettm $0x1  }
0x97: {  	s18 =	sld [smem:$0x3FFB];
	_ =	sdelay $0x3  }
0x98: {  	_ =	strace s18  }
0x99: {  	s4 =	sld [smem:$0x3FFC];
	_ =	sdelay $0x3  }
0x9a: {  	_ =	strace s4  }
0x9b: {  	s4 =	sld [smem:$0x3FFD];
	_ =	sdelay $0x3  }
0x9c: {  	_ =	strace s4  }
0x9d: {  	_ =	strace $0x8FFFFFFF  }
0x9e: {  	s19 =	sld [smem:$0x3FDB];
	_ =	sdelay $0x1  }
0x9f: {  	s5 =	simm.s32 $_scs_section_size  }
0xa0: {  	s6 =	simm.s32 $_size__tile_overlayer_lowered;
	s7 =	simm.s32 $_tile_overlayer_lowered  }
0xa1: {  	s22 =	simm.s32 $0x1BFF;
	s21 =	sshll.u32 s7, $0x1;
	s4 =	sadd.s32 s5, s19  }
0xa2: {  	s8 =	simm.s32 $0x0;
	s20 =	sshll.u32 s6, $0x1;
	s6 =	sadd.s32 s21, s4  }
0xa3: {  	[timem:s8], [sflag:s22] =	dma.local [hbm:s6], s20  }
0xa4: {  	_ =	swait.ge [sflag:s22], s20  }
0xa5: {  	s5 =	ssub.s32 $0x0, s20;
	[sflag:s22] =	ssyncset.done $0x0  }
0xa6: {  	[sflag:s22] =	ssyncadd.s32 s5;
	_ =	sdelay $0x1  }
0xa7: {  	s23 =	simm.s32 $0x1B8B  }
0xa8: {  	_ =	swait.ge [sflag:s23], $0x1  }
0xa9: {  	[sflag:s23] =	ssyncset.done $0x0  }
0xaa: {  	s25 =	simm.s32 $0x1B8E;
	s24 =	sld [smem:$0x3FFE];
	[sflag:s23] =	ssyncadd.s32 $0xFFFFFFFF  }
0xab: {  	s26 =	simm.s32 $execute0_lowered;
	[smem:$0x3FD2] =	sst s25  }
0xac: {  	s6 =	sshll.u32 s26, $0x1;
	_ =	strace $0x80000046;
	[dreg:$0x1] =	wrdreg $0xFFFFFFFF  }
0xad: {  	s28 =	simm.s32 $_size_execute0_lowered;
	s4 =	sadd.s32 s4, s6;
	[dreg:$0x0] =	wrdreg $0x0  }
0xae: {  	s6 =	sshll.u32 s28, $0x1;
	[dreg:$0x2] =	wrdreg s4  }
0xaf: {  	[dreg:$0x3] =	wrdreg s6  }
0xb0: {  	[dreg:$0x4] =	wrdreg $0xC0  }
0xb1: {  	_ =	task [dreg:s8], $0x5FFFF  }
0xb2: {  	[dreg:$0x1] =	wrdreg $0xFFFFFFFF  }
0xb3: {  	[dreg:$0x0] =	wrdreg $0x60  }
0xb4: {  	[dreg:$0x2] =	wrdreg s24  }
0xb5: {  	[dreg:$0x3] =	wrdreg s17  }
0xb6: {  	[dreg:$0x4] =	wrdreg s16  }
0xb7: {  	[dreg:$0x5] =	wrdreg $0x9  }
0xb8: {  	_ =	task.clear_ibuf [dreg:s8], $0x6FFFF;
	_ =	strace $0x90000046  }
0xb9: {  	s29 =	simm.s32 $0x9;
	_ =	strace $0x80000048  }
0xba: {  	_ =	swait.ge [sflag:s29], $0x1  }
0xbb: {  	[sflag:s29] =	ssyncadd.s32 $0xFFFFFFFF  }
0xbc: {  	_ =	strace $0x90000048  }
0xbd: {  	_ =	sfence  }
0xbe: {  	s30 =	sld [smem:$0x0];
	_ =	sdelay $0x2  }
0xbf: {  	s31 =	sshll.u32 s1, $0xD;
	s1 =	sshrl.u32 s1, $0x2  }
0xc0: {  	s3 =	sand.u32 $0x4000, s31;
	s1 =	sadd.s32 s1, s30  }
0xc1: {  	s0 =	sor.u32 s3, s0;
	s1 =	sshll.u32 s1, $0x11  }
0xc2: {  	s0 =	sor.u32 s1, s0  }
0xc3: {  	s0 =	sadd.s32 $0x8F2B, s0  }
0xc4: {  	[sflag:s0] =	ssyncadd.remote.s32 $0x1  }
0xc5: {  	_ =	sfence.sel $0xFFFF  }
0xc6: {  	[dreg:$0x0] =	wrdreg $0xFFFFFFFF;
	(pc) =	sbr.abs _section_cstart, $3  }
0xc7: {  	[dreg:$0x1] =	wrdreg $0xFFFFFFFF  }
0xc8: {  	_ =	task.clear_ibuf [dreg:s8], $0x2FFFF;
	_ =	strace $0x9FFFFFFF  }
0xc9: {  	(tm) =	ssettm $0x7FFFFFFF  }
tec
execute0_lowered:
.L_overlay_start_1:
0x0: {  	(tag) =	ssettag $0x1  }
0x1: {  	s1 =	rddreg [dreg:$0x0];
	s2 =	srdreg.scid  }
0x2: {  	s9 =	rddreg [dreg:$0x1];
	s0 =	stileid.u32;
	s10 =	sand.u32 $0x1, s2  }
0x3: {  	s11 =	rddreg [dreg:$0x2];
	s4 =	sshll.u32 s0, $0x9;
	s5 =	sshll.u32 s10, $0x8  }
0x4: {  	s3 =	simm.s32 $0x0;
	s2 =	rddreg [dreg:$0x3];
	s12 =	sor.u32 s5, s4  }
0x5: {  	[smem:$0x7FF] =	sst s3;
	s4 =	sshrl.u32 s12, $0x3  }
0x6: {  	_ =	strace $0x80000047;
	s5 =	sadd.s32 s9, s4;
	s4 =	simm.s32 $0x2  }
0x7: {  	[tilespmem:s3], [sflag:$0x2] =	stream.linear.gather [hbm4b:s5+s3], $0x80, $0x38;
	[tilespmem:$0x4080] =	vst v63  }
0x8: {  	_ =	swait.ge [sflag:s4], $0x80  }
0x9: {  	[sflag:s4] =	ssyncset.done $0x0  }
0xa: {  	s6 =	simm.s32 $0x80;
	s7 =	simm.s32 $0x1;
	[sflag:s4] =	ssyncadd.s32 $0xFFFFFF80  }
0xb: {  	[tilespmem:s6], [sflag:$0x1] =	stream.indirect.gather [hbm4b:s1+s6], $0x80, s3, s6, $0xb8;
	[tilespmem:$0x4080] =	vst v63  }
0xc: {  	_ =	swait.ge [sflag:s7], $0x4000  }
0xd: {  	s8 =	sshll.u32 s12, $0x4;
	[sflag:s7] =	ssyncset.done $0x0  }
0xe: {  	s8 =	sadd.s32 s11, s8;
	[sflag:s7] =	ssyncadd.s32 $0xFFFFC000  }
0xf: {  	[hbm4b:s8+s3] =	stream.linear.scatter [tilespmem:s6], [sflag:$0x2], $0x4000, $0x38;
	[tilespmem:$0x4080] =	vst v63  }
0x10: {  	s12 =	sor.u32 $0x80, s12;
	_ =	swait.ge [sflag:s4], $0x4000  }
0x11: {  	s13 =	sshrl.u32 s12, $0x3;
	[sflag:s4] =	ssyncset.done $0x0  }
0x12: {  	s10 =	ssub.s32 $0x2, s10;
	s9 =	sadd.s32 s9, s13;
	[sflag:s4] =	ssyncadd.s32 $0xFFFFC000  }
0x13: {  	[tilespmem:s3], [sflag:$0x2] =	stream.linear.gather [hbm4b:s9+s3], $0x80, $0x38;
	[tilespmem:$0x4080] =	vst v63  }
0x14: {  	s29 =	sshrl.u32 s10, $0x1;
	_ =	swait.ge [sflag:s4], $0x80  }
0x15: {  	s13 =	ssub.s32 s10, s29;
	[sflag:s4] =	ssyncset.done $0x0  }
0x16: {  	s31 =	smax.u32 s13, $0x1;
	[sflag:s4] =	ssyncadd.s32 $0xFFFFFF80  }
0x17: {  	[tilespmem:s6], [sflag:$0x1] =	stream.indirect.gather [hbm4b:s1+s6], $0x80, s3, s6, $0xb8;
	[tilespmem:$0x4080] =	vst v63  }
0x18: {  	p0 =	sne.s32 s31, $0x1;
	_ =	swait.ge [sflag:s7], $0x4000  }
.Ltmp0:
0x19: {  	s30 =	sshll.u32 s12, $0x4;
	[sflag:s7] =	ssyncset.done $0x0;
	(pc) =	sbr.rel @!p0 .LBB2_2-.Ltmp0, $4  }
0x1a: {  	s10 =	sadd.s32 s11, s30;
	[sflag:s7] =	ssyncadd.s32 $0xFFFFC000  }
0x1b: {  	[hbm4b:s10+s3] =	stream.linear.scatter [tilespmem:s6], [sflag:$0x2], $0x4000, $0x38;
	[tilespmem:$0x4080] =	vst v63  }
0x1c: {  	_ =	swait.ge [sflag:s4], $0x4000  }
0x1d: {  	s11 =	sadd.s32 $0xFFFFFFFF, s31;
	[sflag:s4] =	ssyncset.done $0x0  }
.LBB2_1:
0x1e: {  	p0 =	sne.s32 s11, $0x1;
	s11 =	sadd.s32 $0xFFFFFFFF, s11;
	[sflag:s4] =	ssyncadd.s32 $0xFFFFC000  }
0x1f: {  	[tilespmem:s3], [sflag:$0x2] =	stream.linear.gather [hbm4b:s5+s3], $0x80, $0x38;
	[tilespmem:$0x4080] =	vst v63  }
0x20: {  	_ =	swait.ge [sflag:s4], $0x80  }
0x21: {  	[sflag:s4] =	ssyncset.done $0x0  }
0x22: {  	[sflag:s4] =	ssyncadd.s32 $0xFFFFFF80  }
0x23: {  	[tilespmem:s6], [sflag:$0x1] =	stream.indirect.gather [hbm4b:s1+s6], $0x80, s3, s6, $0xb8;
	[tilespmem:$0x4080] =	vst v63  }
0x24: {  	_ =	swait.ge [sflag:s7], $0x4000  }
0x25: {  	[sflag:s7] =	ssyncset.done $0x0  }
0x26: {  	[sflag:s7] =	ssyncadd.s32 $0xFFFFC000  }
0x27: {  	[hbm4b:s8+s3] =	stream.linear.scatter [tilespmem:s6], [sflag:$0x2], $0x4000, $0x38;
	[tilespmem:$0x4080] =	vst v63  }
0x28: {  	_ =	swait.ge [sflag:s4], $0x4000  }
0x29: {  	[sflag:s4] =	ssyncset.done $0x0  }
0x2a: {  	[sflag:s4] =	ssyncadd.s32 $0xFFFFC000  }
0x2b: {  	[tilespmem:s3], [sflag:$0x2] =	stream.linear.gather [hbm4b:s9+s3], $0x80, $0x38;
	[tilespmem:$0x4080] =	vst v63  }
0x2c: {  	_ =	swait.ge [sflag:s4], $0x80  }
0x2d: {  	[sflag:s4] =	ssyncset.done $0x0  }
0x2e: {  	[sflag:s4] =	ssyncadd.s32 $0xFFFFFF80  }
0x2f: {  	[tilespmem:s6], [sflag:$0x1] =	stream.indirect.gather [hbm4b:s1+s6], $0x80, s3, s6, $0xb8;
	[tilespmem:$0x4080] =	vst v63  }
0x30: {  	_ =	swait.ge [sflag:s7], $0x4000  }
.Ltmp1:
0x31: {  	[sflag:s7] =	ssyncset.done $0x0;
	(pc) =	sbr.rel @p0 .LBB2_1-.Ltmp1, $4  }
0x32: {  	[sflag:s7] =	ssyncadd.s32 $0xFFFFC000  }
0x33: {  	[hbm4b:s10+s3] =	stream.linear.scatter [tilespmem:s6], [sflag:$0x2], $0x4000, $0x38;
	[tilespmem:$0x4080] =	vst v63  }
0x34: {  	_ =	swait.ge [sflag:s4], $0x4000  }
0x35: {  	[sflag:s4] =	ssyncset.done $0x0  }
.LBB2_2:
0x36: {  	[sflag:s4] =	ssyncadd.s32 $0xFFFFC000  }
0x37: {  	_ =	sfence.sel $0x180000  }
0x38: {  	[bflag:$0x0] =	sbarrier.arrive $0xFFFF  }
0x39: {  	p0 =	sne.s32 s0, $0x0;
	_ =	strace $0x90000047  }
0x3a: {  	s0 =	sadd.s32 @!p0 $0x100000, s2;
	[bflag:$0x2] =	sbarrier.arrive $0xFFFF  }
0x3b: {  	[sflag:s0] =	ssyncadd.tile.s32 @!p0 $0x1;
	_ =	shalt  }
.Lfunc_end2:
_tile_overlayer_lowered:
.L_overlay_start_2:
0x3c: {  	(tag) =	ssettag $0x2  }
0x3d: {  	s0 =	rddreg [dreg:$0x0];
	s2 =	stileid.u32  }
0x3e: {  	s1 =	rddreg [dreg:$0x1];
	p0 =	sne.s32 s2, $0x0  }
0x3f: {  	s3 =	rddreg [dreg:$0x2];
	[bflag:$0x3] =	sbarrier.arrive $0xFFFF;
	s2 =	simm.s32 @!p0 $0x1C02  }
0x40: {  	[timem:s3], [sflag:s2] =	dma.local @!p0 [hbm:s0], s1  }
0x41: {  	s0 =	simm.s32 @!p0 $0x2  }
0x42: {  	_ =	swait.ge @!p0 [sflag:s0], s1  }
0x43: {  	s1 =	ssub.s32 @!p0 $0x0, s1;
	[sflag:s0] =	ssyncset.done @!p0 $0x0  }
0x44: {  	[sflag:s0] =	ssyncadd.s32 @!p0 s1  }
0x45: {  	[bflag:$0x3] =	sbarrier.arrive $0xFFFF  }
0x46: {  	_ =	shalt  }

</sc_bundles>
